<compile_context>
chip_gen: v7x
topology: tpu7x:2x2x1
jax: 0.10.2.dev20260603
libtpu: 0.0.44.dev20260713+nightly
codegen_flags: <defaults>
</compile_context>

<pallas_src>
import functools

import jax
import jax.numpy as jnp
from jax import lax
from jax.experimental import pallas as pl
from jax.experimental.pallas import tpu as pltpu
from jax.experimental.pallas import tpu_sc as plsc

F = 26
V = 100000
E = 32
B = 16384

NC = 2
NS = 16
NW = NC * NS

_mesh = plsc.VectorSubcoreMesh(core_axis_name="c", subcore_axis_name="s")


@functools.partial(
    pl.kernel,
    out_type=jax.ShapeDtypeStruct((F, E, B), jnp.float32),
    mesh=_mesh,
    compiler_params=pltpu.CompilerParams(
        use_tc_tiling_on_sc=True, needs_layout_passes=False
    ),
    scratch_types=[
        pltpu.VMEM((V,), jnp.float32),
        pltpu.VMEM((B,), jnp.float32),
        pltpu.SemaphoreType.DMA,
        pltpu.SemaphoreType.DMA,
        pltpu.SemaphoreType.DMA,
    ],
)
def _sc_lookup(table_t, x_f, out, row_v, io_v, rsem, isem, ssem):
    e = lax.axis_index("s") * NC + lax.axis_index("c")

    def body_f(f, carry):
        row_cp = pltpu.async_copy(table_t.at[f, e, :], row_v, rsem)

        @pl.when(f > 0)
        def _():
            pltpu.make_async_copy(io_v, out.at[f, e, :], ssem).wait()

        pltpu.async_copy(x_f.at[f, :], io_v, isem).wait()
        row_cp.wait()

        def g16(i, carry2):
            s = pl.multiple_of(i * 16, 16)
            idx = plsc.bitcast(io_v[pl.ds(s, 16)], jnp.int32)
            io_v[pl.ds(s, 16)] = plsc.load_gather(row_v, [idx])
            return carry2

        lax.fori_loop(0, B // 16, g16, 0, unroll=16)
        pltpu.async_copy(io_v, out.at[f, e, :], ssem)
        return carry

    lax.fori_loop(0, F, body_f, 0)
    pltpu.make_async_copy(io_v, out.at[F - 1, e, :], ssem).wait()


def kernel(x, embedding):
    table_t = jnp.transpose(embedding, (0, 2, 1))
    x_f = jax.lax.bitcast_convert_type(
        jnp.transpose(x.astype(jnp.int32)), jnp.float32
    )
    out = _sc_lookup(table_t, x_f)
    return jnp.transpose(out, (2, 0, 1))

# --- scband reference (transcript-rebuilt; emitter-appended) ---
"""Pipeline reference for scband-categorical-embedding-49735721288217 (READ-ONLY COPY).

The authoritative reference and input builder live on the scoring server;
editing this copy changes nothing except your own understanding.
"""

import jax, jax.numpy as jnp
import numpy as np

NUM_FEATURES = 26
MAX_CLASS = 100000
EMBEDDING_SIZE = 32
BATCH = 16384

def setup_inputs(seed: int = 0) -> dict:
    key = jax.random.key(seed)
    k1, k2 = jax.random.split(key)
    x = jax.random.randint(k1, (BATCH, NUM_FEATURES), 0, MAX_CLASS, dtype=jnp.int64 if jax.config.jax_enable_x64 else jnp.int32)
    embedding = jax.random.normal(k2, (NUM_FEATURES, MAX_CLASS, EMBEDDING_SIZE), dtype=jnp.float32)
    return {"x": x, "embedding": embedding}

def reference(x, embedding):
    # emb = embedding[feature_idx, x, :] with feature_idx = arange(num_features)
    # feature_idx shape [F] broadcasts with x shape [B, F] -> result [B, F, E]
    feature_idx = jnp.arange(NUM_FEATURES, dtype=x.dtype)
    emb = embedding[feature_idx, x, :]
    return emb

if __name__ == "__main__":
    import jax
    _d = setup_inputs()
    print(jax.jit(kernel)(*tuple(_d.values())))

</pallas_src>

<mosaic_0001>
#map = affine_map<(d0, d1) -> (0, 0, 0)>
#map1 = affine_map<(d0, d1) -> (0, 0)>
module attributes {stable_mosaic.version = 14 : i64} {
  func.func @_sc_lookup(%arg0: i32, %arg1: i32, %arg2: memref<26x32x100000xf32, #tpu.memory_space<hbm>>, %arg3: memref<26x16384xf32, #tpu.memory_space<hbm>>, %arg4: memref<26x32x16384xf32, #tpu.memory_space<hbm>>, %arg5: memref<100000xf32, #tpu.memory_space<vmem>>, %arg6: memref<16384xf32, #tpu.memory_space<vmem>>, %arg7: memref<!tpu.dma_semaphore, #tpu.memory_space<semaphore_mem>>, %arg8: memref<!tpu.dma_semaphore, #tpu.memory_space<semaphore_mem>>, %arg9: memref<!tpu.dma_semaphore, #tpu.memory_space<semaphore_mem>>) attributes {dimension_semantics = [#tpu.dimension_semantics<core_parallel>, #tpu.dimension_semantics<subcore_parallel>], iteration_bounds = array<i64: 2, 16>, scalar_prefetch = 0 : i64, scratch_operands = 5 : i64, tpu.core_type = #tpu.core_type<sc_vector_subcore>, window_params = [{transform_indices = #map}, {transform_indices = #map1}, {transform_indices = #map}]} {
    %mul3A = arith.constant 2 : i32
    %mul3A_0 = arith.muli %arg1, %mul3A : i32
    %add3A = arith.addi %mul3A_0, %arg0 : i32
    %scan3A = arith.constant 0 : i32
    %scan3A_1 = arith.constant 0 : i32
    %scan3A_2 = arith.constant 26 : i32
    %scan3A_3 = arith.addi %scan3A_1, %scan3A_2 : i32
    %scan3A_4 = arith.constant 1 : i32
    scf.for %scan3A_12 = %scan3A_1 to %scan3A_3 step %scan3A_4  : i32 {
      %dma_start3A = arith.constant 0 : i32
      %dma_start3A_13 = tpu.memref_slice %arg2[%scan3A_12, %add3A, %dma_start3A] : memref<26x32x100000xf32, #tpu.memory_space<hbm>> -> memref<1x1x100000xf32, #tpu.memory_space<hbm>>
      %dma_start3A_14 = tpu.memref_squeeze %dma_start3A_13 : memref<1x1x100000xf32, #tpu.memory_space<hbm>> -> memref<100000xf32, #tpu.memory_space<hbm>>
      %dma_start3A_15 = arith.constant 0 : i32
      %dma_start3A_16 = tpu.memref_slice %arg2[%scan3A_12, %add3A, %dma_start3A_15] : memref<26x32x100000xf32, #tpu.memory_space<hbm>> -> memref<1x1x100000xf32, #tpu.memory_space<hbm>>
      %dma_start3A_17 = tpu.memref_squeeze %dma_start3A_16 : memref<1x1x100000xf32, #tpu.memory_space<hbm>> -> memref<100000xf32, #tpu.memory_space<hbm>>
      tpu.enqueue_dma source(%dma_start3A_17 : memref<100000xf32, #tpu.memory_space<hbm>>) target(%arg5 : memref<100000xf32, #tpu.memory_space<vmem>>) target_semaphore(%arg7 : memref<!tpu.dma_semaphore, #tpu.memory_space<semaphore_mem>>)
      %gt3A = arith.constant 0 : i32
      %gt3A_18 = arith.cmpi sgt, %scan3A_12, %gt3A : i32
      %convert_element_type3A = arith.extui %gt3A_18 : i1 to i32
      %cond3A = arith.constant 0 : i32
      %cond3A_19 = arith.cmpi ne, %convert_element_type3A, %cond3A : i32
      scf.if %cond3A_19 {
        %dma_wait3A_50 = arith.constant 0 : i32
        %dma_wait3A_51 = tpu.memref_slice %arg4[%scan3A_12, %add3A, %dma_wait3A_50] : memref<26x32x16384xf32, #tpu.memory_space<hbm>> -> memref<1x1x16384xf32, #tpu.memory_space<hbm>>
        %dma_wait3A_52 = tpu.memref_squeeze %dma_wait3A_51 : memref<1x1x16384xf32, #tpu.memory_space<hbm>> -> memref<16384xf32, #tpu.memory_space<hbm>>
        %dma_wait3A_53 = arith.constant 0 : i32
        %dma_wait3A_54 = tpu.memref_slice %arg4[%scan3A_12, %add3A, %dma_wait3A_53] : memref<26x32x16384xf32, #tpu.memory_space<hbm>> -> memref<1x1x16384xf32, #tpu.memory_space<hbm>>
        %dma_wait3A_55 = tpu.memref_squeeze %dma_wait3A_54 : memref<1x1x16384xf32, #tpu.memory_space<hbm>> -> memref<16384xf32, #tpu.memory_space<hbm>>
        tpu.wait_dma2 semaphore(%arg9 : memref<!tpu.dma_semaphore, #tpu.memory_space<semaphore_mem>>) src(%arg6 : memref<16384xf32, #tpu.memory_space<vmem>>) dst(%dma_wait3A_55 : memref<16384xf32, #tpu.memory_space<hbm>>)
      } else {
      }
      %dma_start3A_20 = arith.constant 0 : i32
      %dma_start3A_21 = tpu.memref_slice %arg3[%scan3A_12, %dma_start3A_20] : memref<26x16384xf32, #tpu.memory_space<hbm>> -> memref<1x16384xf32, #tpu.memory_space<hbm>>
      %dma_start3A_22 = tpu.memref_squeeze %dma_start3A_21 : memref<1x16384xf32, #tpu.memory_space<hbm>> -> memref<16384xf32, #tpu.memory_space<hbm>>
      %dma_start3A_23 = arith.constant 0 : i32
      %dma_start3A_24 = tpu.memref_slice %arg3[%scan3A_12, %dma_start3A_23] : memref<26x16384xf32, #tpu.memory_space<hbm>> -> memref<1x16384xf32, #tpu.memory_space<hbm>>
      %dma_start3A_25 = tpu.memref_squeeze %dma_start3A_24 : memref<1x16384xf32, #tpu.memory_space<hbm>> -> memref<16384xf32, #tpu.memory_space<hbm>>
      tpu.enqueue_dma source(%dma_start3A_25 : memref<16384xf32, #tpu.memory_space<hbm>>) target(%arg6 : memref<16384xf32, #tpu.memory_space<vmem>>) target_semaphore(%arg8 : memref<!tpu.dma_semaphore, #tpu.memory_space<semaphore_mem>>)
      %dma_wait3A_26 = arith.constant 0 : i32
      %dma_wait3A_27 = tpu.memref_slice %arg3[%scan3A_12, %dma_wait3A_26] : memref<26x16384xf32, #tpu.memory_space<hbm>> -> memref<1x16384xf32, #tpu.memory_space<hbm>>
      %dma_wait3A_28 = tpu.memref_squeeze %dma_wait3A_27 : memref<1x16384xf32, #tpu.memory_space<hbm>> -> memref<16384xf32, #tpu.memory_space<hbm>>
      %dma_wait3A_29 = arith.constant 0 : i32
      %dma_wait3A_30 = tpu.memref_slice %arg3[%scan3A_12, %dma_wait3A_29] : memref<26x16384xf32, #tpu.memory_space<hbm>> -> memref<1x16384xf32, #tpu.memory_space<hbm>>
      %dma_wait3A_31 = tpu.memref_squeeze %dma_wait3A_30 : memref<1x16384xf32, #tpu.memory_space<hbm>> -> memref<16384xf32, #tpu.memory_space<hbm>>
      tpu.wait_dma2 semaphore(%arg8 : memref<!tpu.dma_semaphore, #tpu.memory_space<semaphore_mem>>) src(%dma_wait3A_31 : memref<16384xf32, #tpu.memory_space<hbm>>) dst(%arg6 : memref<16384xf32, #tpu.memory_space<vmem>>)
      %dma_wait3A_32 = arith.constant 0 : i32
      %dma_wait3A_33 = tpu.memref_slice %arg2[%scan3A_12, %add3A, %dma_wait3A_32] : memref<26x32x100000xf32, #tpu.memory_space<hbm>> -> memref<1x1x100000xf32, #tpu.memory_space<hbm>>
      %dma_wait3A_34 = tpu.memref_squeeze %dma_wait3A_33 : memref<1x1x100000xf32, #tpu.memory_space<hbm>> -> memref<100000xf32, #tpu.memory_space<hbm>>
      %dma_wait3A_35 = arith.constant 0 : i32
      %dma_wait3A_36 = tpu.memref_slice %arg2[%scan3A_12, %add3A, %dma_wait3A_35] : memref<26x32x100000xf32, #tpu.memory_space<hbm>> -> memref<1x1x100000xf32, #tpu.memory_space<hbm>>
      %dma_wait3A_37 = tpu.memref_squeeze %dma_wait3A_36 : memref<1x1x100000xf32, #tpu.memory_space<hbm>> -> memref<100000xf32, #tpu.memory_space<hbm>>
      tpu.wait_dma2 semaphore(%arg7 : memref<!tpu.dma_semaphore, #tpu.memory_space<semaphore_mem>>) src(%dma_wait3A_37 : memref<100000xf32, #tpu.memory_space<hbm>>) dst(%arg5 : memref<100000xf32, #tpu.memory_space<vmem>>)
      %scan3A_38 = arith.constant 0 : i32
      %scan3A_39 = arith.constant 0 : i32
      %scan3A_40 = arith.constant 1024 : i32
      %scan3A_41 = arith.addi %scan3A_39, %scan3A_40 : i32
      %scan3A_42 = arith.constant 16 : i32
      scf.for %scan3A_50 = %scan3A_39 to %scan3A_41 step %scan3A_42  : i32 {
        %mul3A_51 = arith.constant 16 : i32
        %mul3A_52 = arith.muli %scan3A_50, %mul3A_51 : i32
        %multiple_of3A = tpu.assume_multiple %mul3A_52, 16 : i32
        %get3A = arith.index_cast %multiple_of3A : i32 to index
        %get3A_53 = tpu.vector_load %arg6[%get3A] {strides = array<i32>} : memref<16384xf32, #tpu.memory_space<vmem>>, vector<16xf32>,
        %bitcast3A = vector.bitcast %get3A_53 : vector<16xf32> to vector<16xi32>
        %gather3A = tpu.vector_load_idx %arg5[%bitcast3A] : memref<100000xf32, #tpu.memory_space<vmem>>[vector<16xi32>], vector<16xf32>,
        %swap3A = arith.index_cast %multiple_of3A : i32 to index
        %swap3A_54 = tpu.vector_load %arg6[%swap3A] {strides = array<i32>} : memref<16384xf32, #tpu.memory_space<vmem>>, vector<16xf32>,
        tpu.vector_store %arg6[%swap3A], %gather3A {strides = array<i32>} : memref<16384xf32, #tpu.memory_space<vmem>>, vector<16xf32>,
        %scan3A_55 = arith.constant 1 : i32
        %scan3A_56 = arith.addi %scan3A_50, %scan3A_55 : i32
        %mul3A_57 = arith.constant 16 : i32
        %mul3A_58 = arith.muli %scan3A_56, %mul3A_57 : i32
        %multiple_of3A_59 = tpu.assume_multiple %mul3A_58, 16 : i32
        %get3A_60 = arith.index_cast %multiple_of3A_59 : i32 to index
        %get3A_61 = tpu.vector_load %arg6[%get3A_60] {strides = array<i32>} : memref<16384xf32, #tpu.memory_space<vmem>>, vector<16xf32>,
        %bitcast3A_62 = vector.bitcast %get3A_61 : vector<16xf32> to vector<16xi32>
        %gather3A_63 = tpu.vector_load_idx %arg5[%bitcast3A_62] : memref<100000xf32, #tpu.memory_space<vmem>>[vector<16xi32>], vector<16xf32>,
        %swap3A_64 = arith.index_cast %multiple_of3A_59 : i32 to index
        %swap3A_65 = tpu.vector_load %arg6[%swap3A_64] {strides = array<i32>} : memref<16384xf32, #tpu.memory_space<vmem>>, vector<16xf32>,
        tpu.vector_store %arg6[%swap3A_64], %gather3A_63 {strides = array<i32>} : memref<16384xf32, #tpu.memory_space<vmem>>, vector<16xf32>,
        %scan3A_66 = arith.constant 2 : i32
        %scan3A_67 = arith.addi %scan3A_50, %scan3A_66 : i32
        %mul3A_68 = arith.constant 16 : i32
        %mul3A_69 = arith.muli %scan3A_67, %mul3A_68 : i32
        %multiple_of3A_70 = tpu.assume_multiple %mul3A_69, 16 : i32
        %get3A_71 = arith.index_cast %multiple_of3A_70 : i32 to index
        %get3A_72 = tpu.vector_load %arg6[%get3A_71] {strides = array<i32>} : memref<16384xf32, #tpu.memory_space<vmem>>, vector<16xf32>,
        %bitcast3A_73 = vector.bitcast %get3A_72 : vector<16xf32> to vector<16xi32>
        %gather3A_74 = tpu.vector_load_idx %arg5[%bitcast3A_73] : memref<100000xf32, #tpu.memory_space<vmem>>[vector<16xi32>], vector<16xf32>,
        %swap3A_75 = arith.index_cast %multiple_of3A_70 : i32 to index
        %swap3A_76 = tpu.vector_load %arg6[%swap3A_75] {strides = array<i32>} : memref<16384xf32, #tpu.memory_space<vmem>>, vector<16xf32>,
        tpu.vector_store %arg6[%swap3A_75], %gather3A_74 {strides = array<i32>} : memref<16384xf32, #tpu.memory_space<vmem>>, vector<16xf32>,
        %scan3A_77 = arith.constant 3 : i32
        %scan3A_78 = arith.addi %scan3A_50, %scan3A_77 : i32
        %mul3A_79 = arith.constant 16 : i32
        %mul3A_80 = arith.muli %scan3A_78, %mul3A_79 : i32
        %multiple_of3A_81 = tpu.assume_multiple %mul3A_80, 16 : i32
        %get3A_82 = arith.index_cast %multiple_of3A_81 : i32 to index
        %get3A_83 = tpu.vector_load %arg6[%get3A_82] {strides = array<i32>} : memref<16384xf32, #tpu.memory_space<vmem>>, vector<16xf32>,
        %bitcast3A_84 = vector.bitcast %get3A_83 : vector<16xf32> to vector<16xi32>
        %gather3A_85 = tpu.vector_load_idx %arg5[%bitcast3A_84] : memref<100000xf32, #tpu.memory_space<vmem>>[vector<16xi32>], vector<16xf32>,
        %swap3A_86 = arith.index_cast %multiple_of3A_81 : i32 to index
        %swap3A_87 = tpu.vector_load %arg6[%swap3A_86] {strides = array<i32>} : memref<16384xf32, #tpu.memory_space<vmem>>, vector<16xf32>,
        tpu.vector_store %arg6[%swap3A_86], %gather3A_85 {strides = array<i32>} : memref<16384xf32, #tpu.memory_space<vmem>>, vector<16xf32>,
        %scan3A_88 = arith.constant 4 : i32
        %scan3A_89 = arith.addi %scan3A_50, %scan3A_88 : i32
        %mul3A_90 = arith.constant 16 : i32
        %mul3A_91 = arith.muli %scan3A_89, %mul3A_90 : i32
        %multiple_of3A_92 = tpu.assume_multiple %mul3A_91, 16 : i32
        %get3A_93 = arith.index_cast %multiple_of3A_92 : i32 to index
        %get3A_94 = tpu.vector_load %arg6[%get3A_93] {strides = array<i32>} : memref<16384xf32, #tpu.memory_space<vmem>>, vector<16xf32>,
        %bitcast3A_95 = vector.bitcast %get3A_94 : vector<16xf32> to vector<16xi32>
        %gather3A_96 = tpu.vector_load_idx %arg5[%bitcast3A_95] : memref<100000xf32, #tpu.memory_space<vmem>>[vector<16xi32>], vector<16xf32>,
        %swap3A_97 = arith.index_cast %multiple_of3A_92 : i32 to index
        %swap3A_98 = tpu.vector_load %arg6[%swap3A_97] {strides = array<i32>} : memref<16384xf32, #tpu.memory_space<vmem>>, vector<16xf32>,
        tpu.vector_store %arg6[%swap3A_97], %gather3A_96 {strides = array<i32>} : memref<16384xf32, #tpu.memory_space<vmem>>, vector<16xf32>,
        %scan3A_99 = arith.constant 5 : i32
        %scan3A_100 = arith.addi %scan3A_50, %scan3A_99 : i32
        %mul3A_101 = arith.constant 16 : i32
        %mul3A_102 = arith.muli %scan3A_100, %mul3A_101 : i32
        %multiple_of3A_103 = tpu.assume_multiple %mul3A_102, 16 : i32
        %get3A_104 = arith.index_cast %multiple_of3A_103 : i32 to index
        %get3A_105 = tpu.vector_load %arg6[%get3A_104] {strides = array<i32>} : memref<16384xf32, #tpu.memory_space<vmem>>, vector<16xf32>,
        %bitcast3A_106 = vector.bitcast %get3A_105 : vector<16xf32> to vector<16xi32>
        %gather3A_107 = tpu.vector_load_idx %arg5[%bitcast3A_106] : memref<100000xf32, #tpu.memory_space<vmem>>[vector<16xi32>], vector<16xf32>,
        %swap3A_108 = arith.index_cast %multiple_of3A_103 : i32 to index
        %swap3A_109 = tpu.vector_load %arg6[%swap3A_108] {strides = array<i32>} : memref<16384xf32, #tpu.memory_space<vmem>>, vector<16xf32>,
        tpu.vector_store %arg6[%swap3A_108], %gather3A_107 {strides = array<i32>} : memref<16384xf32, #tpu.memory_space<vmem>>, vector<16xf32>,
        %scan3A_110 = arith.constant 6 : i32
        %scan3A_111 = arith.addi %scan3A_50, %scan3A_110 : i32
        %mul3A_112 = arith.constant 16 : i32
        %mul3A_113 = arith.muli %scan3A_111, %mul3A_112 : i32
        %multiple_of3A_114 = tpu.assume_multiple %mul3A_113, 16 : i32
        %get3A_115 = arith.index_cast %multiple_of3A_114 : i32 to index
        %get3A_116 = tpu.vector_load %arg6[%get3A_115] {strides = array<i32>} : memref<16384xf32, #tpu.memory_space<vmem>>, vector<16xf32>,
        %bitcast3A_117 = vector.bitcast %get3A_116 : vector<16xf32> to vector<16xi32>
        %gather3A_118 = tpu.vector_load_idx %arg5[%bitcast3A_117] : memref<100000xf32, #tpu.memory_space<vmem>>[vector<16xi32>], vector<16xf32>,
        %swap3A_119 = arith.index_cast %multiple_of3A_114 : i32 to index
        %swap3A_120 = tpu.vector_load %arg6[%swap3A_119] {strides = array<i32>} : memref<16384xf32, #tpu.memory_space<vmem>>, vector<16xf32>,
        tpu.vector_store %arg6[%swap3A_119], %gather3A_118 {strides = array<i32>} : memref<16384xf32, #tpu.memory_space<vmem>>, vector<16xf32>,
        %scan3A_121 = arith.constant 7 : i32
        %scan3A_122 = arith.addi %scan3A_50, %scan3A_121 : i32
        %mul3A_123 = arith.constant 16 : i32
        %mul3A_124 = arith.muli %scan3A_122, %mul3A_123 : i32
        %multiple_of3A_125 = tpu.assume_multiple %mul3A_124, 16 : i32
        %get3A_126 = arith.index_cast %multiple_of3A_125 : i32 to index
        %get3A_127 = tpu.vector_load %arg6[%get3A_126] {strides = array<i32>} : memref<16384xf32, #tpu.memory_space<vmem>>, vector<16xf32>,
        %bitcast3A_128 = vector.bitcast %get3A_127 : vector<16xf32> to vector<16xi32>
        %gather3A_129 = tpu.vector_load_idx %arg5[%bitcast3A_128] : memref<100000xf32, #tpu.memory_space<vmem>>[vector<16xi32>], vector<16xf32>,
        %swap3A_130 = arith.index_cast %multiple_of3A_125 : i32 to index
        %swap3A_131 = tpu.vector_load %arg6[%swap3A_130] {strides = array<i32>} : memref<16384xf32, #tpu.memory_space<vmem>>, vector<16xf32>,
        tpu.vector_store %arg6[%swap3A_130], %gather3A_129 {strides = array<i32>} : memref<16384xf32, #tpu.memory_space<vmem>>, vector<16xf32>,
        %scan3A_132 = arith.constant 8 : i32
        %scan3A_133 = arith.addi %scan3A_50, %scan3A_132 : i32
        %mul3A_134 = arith.constant 16 : i32
        %mul3A_135 = arith.muli %scan3A_133, %mul3A_134 : i32
        %multiple_of3A_136 = tpu.assume_multiple %mul3A_135, 16 : i32
        %get3A_137 = arith.index_cast %multiple_of3A_136 : i32 to index
        %get3A_138 = tpu.vector_load %arg6[%get3A_137] {strides = array<i32>} : memref<16384xf32, #tpu.memory_space<vmem>>, vector<16xf32>,
        %bitcast3A_139 = vector.bitcast %get3A_138 : vector<16xf32> to vector<16xi32>
        %gather3A_140 = tpu.vector_load_idx %arg5[%bitcast3A_139] : memref<100000xf32, #tpu.memory_space<vmem>>[vector<16xi32>], vector<16xf32>,
        %swap3A_141 = arith.index_cast %multiple_of3A_136 : i32 to index
        %swap3A_142 = tpu.vector_load %arg6[%swap3A_141] {strides = array<i32>} : memref<16384xf32, #tpu.memory_space<vmem>>, vector<16xf32>,
        tpu.vector_store %arg6[%swap3A_141], %gather3A_140 {strides = array<i32>} : memref<16384xf32, #tpu.memory_space<vmem>>, vector<16xf32>,
        %scan3A_143 = arith.constant 9 : i32
        %scan3A_144 = arith.addi %scan3A_50, %scan3A_143 : i32
        %mul3A_145 = arith.constant 16 : i32
        %mul3A_146 = arith.muli %scan3A_144, %mul3A_145 : i32
        %multiple_of3A_147 = tpu.assume_multiple %mul3A_146, 16 : i32
        %get3A_148 = arith.index_cast %multiple_of3A_147 : i32 to index
        %get3A_149 = tpu.vector_load %arg6[%get3A_148] {strides = array<i32>} : memref<16384xf32, #tpu.memory_space<vmem>>, vector<16xf32>,
        %bitcast3A_150 = vector.bitcast %get3A_149 : vector<16xf32> to vector<16xi32>
        %gather3A_151 = tpu.vector_load_idx %arg5[%bitcast3A_150] : memref<100000xf32, #tpu.memory_space<vmem>>[vector<16xi32>], vector<16xf32>,
        %swap3A_152 = arith.index_cast %multiple_of3A_147 : i32 to index
        %swap3A_153 = tpu.vector_load %arg6[%swap3A_152] {strides = array<i32>} : memref<16384xf32, #tpu.memory_space<vmem>>, vector<16xf32>,
        tpu.vector_store %arg6[%swap3A_152], %gather3A_151 {strides = array<i32>} : memref<16384xf32, #tpu.memory_space<vmem>>, vector<16xf32>,
        %scan3A_154 = arith.constant 10 : i32
        %scan3A_155 = arith.addi %scan3A_50, %scan3A_154 : i32
        %mul3A_156 = arith.constant 16 : i32
        %mul3A_157 = arith.muli %scan3A_155, %mul3A_156 : i32
        %multiple_of3A_158 = tpu.assume_multiple %mul3A_157, 16 : i32
        %get3A_159 = arith.index_cast %multiple_of3A_158 : i32 to index
        %get3A_160 = tpu.vector_load %arg6[%get3A_159] {strides = array<i32>} : memref<16384xf32, #tpu.memory_space<vmem>>, vector<16xf32>,
        %bitcast3A_161 = vector.bitcast %get3A_160 : vector<16xf32> to vector<16xi32>
        %gather3A_162 = tpu.vector_load_idx %arg5[%bitcast3A_161] : memref<100000xf32, #tpu.memory_space<vmem>>[vector<16xi32>], vector<16xf32>,
        %swap3A_163 = arith.index_cast %multiple_of3A_158 : i32 to index
        %swap3A_164 = tpu.vector_load %arg6[%swap3A_163] {strides = array<i32>} : memref<16384xf32, #tpu.memory_space<vmem>>, vector<16xf32>,
        tpu.vector_store %arg6[%swap3A_163], %gather3A_162 {strides = array<i32>} : memref<16384xf32, #tpu.memory_space<vmem>>, vector<16xf32>,
        %scan3A_165 = arith.constant 11 : i32
        %scan3A_166 = arith.addi %scan3A_50, %scan3A_165 : i32
        %mul3A_167 = arith.constant 16 : i32
        %mul3A_168 = arith.muli %scan3A_166, %mul3A_167 : i32
        %multiple_of3A_169 = tpu.assume_multiple %mul3A_168, 16 : i32
        %get3A_170 = arith.index_cast %multiple_of3A_169 : i32 to index
        %get3A_171 = tpu.vector_load %arg6[%get3A_170] {strides = array<i32>} : memref<16384xf32, #tpu.memory_space<vmem>>, vector<16xf32>,
        %bitcast3A_172 = vector.bitcast %get3A_171 : vector<16xf32> to vector<16xi32>
        %gather3A_173 = tpu.vector_load_idx %arg5[%bitcast3A_172] : memref<100000xf32, #tpu.memory_space<vmem>>[vector<16xi32>], vector<16xf32>,
        %swap3A_174 = arith.index_cast %multiple_of3A_169 : i32 to index
        %swap3A_175 = tpu.vector_load %arg6[%swap3A_174] {strides = array<i32>} : memref<16384xf32, #tpu.memory_space<vmem>>, vector<16xf32>,
        tpu.vector_store %arg6[%swap3A_174], %gather3A_173 {strides = array<i32>} : memref<16384xf32, #tpu.memory_space<vmem>>, vector<16xf32>,
        %scan3A_176 = arith.constant 12 : i32
        %scan3A_177 = arith.addi %scan3A_50, %scan3A_176 : i32
        %mul3A_178 = arith.constant 16 : i32
        %mul3A_179 = arith.muli %scan3A_177, %mul3A_178 : i32
        %multiple_of3A_180 = tpu.assume_multiple %mul3A_179, 16 : i32
        %get3A_181 = arith.index_cast %multiple_of3A_180 : i32 to index
        %get3A_182 = tpu.vector_load %arg6[%get3A_181] {strides = array<i32>} : memref<16384xf32, #tpu.memory_space<vmem>>, vector<16xf32>,
        %bitcast3A_183 = vector.bitcast %get3A_182 : vector<16xf32> to vector<16xi32>
        %gather3A_184 = tpu.vector_load_idx %arg5[%bitcast3A_183] : memref<100000xf32, #tpu.memory_space<vmem>>[vector<16xi32>], vector<16xf32>,
        %swap3A_185 = arith.index_cast %multiple_of3A_180 : i32 to index
        %swap3A_186 = tpu.vector_load %arg6[%swap3A_185] {strides = array<i32>} : memref<16384xf32, #tpu.memory_space<vmem>>, vector<16xf32>,
        tpu.vector_store %arg6[%swap3A_185], %gather3A_184 {strides = array<i32>} : memref<16384xf32, #tpu.memory_space<vmem>>, vector<16xf32>,
        %scan3A_187 = arith.constant 13 : i32
        %scan3A_188 = arith.addi %scan3A_50, %scan3A_187 : i32
        %mul3A_189 = arith.constant 16 : i32
        %mul3A_190 = arith.muli %scan3A_188, %mul3A_189 : i32
        %multiple_of3A_191 = tpu.assume_multiple %mul3A_190, 16 : i32
        %get3A_192 = arith.index_cast %multiple_of3A_191 : i32 to index
        %get3A_193 = tpu.vector_load %arg6[%get3A_192] {strides = array<i32>} : memref<16384xf32, #tpu.memory_space<vmem>>, vector<16xf32>,
        %bitcast3A_194 = vector.bitcast %get3A_193 : vector<16xf32> to vector<16xi32>
        %gather3A_195 = tpu.vector_load_idx %arg5[%bitcast3A_194] : memref<100000xf32, #tpu.memory_space<vmem>>[vector<16xi32>], vector<16xf32>,
        %swap3A_196 = arith.index_cast %multiple_of3A_191 : i32 to index
        %swap3A_197 = tpu.vector_load %arg6[%swap3A_196] {strides = array<i32>} : memref<16384xf32, #tpu.memory_space<vmem>>, vector<16xf32>,
        tpu.vector_store %arg6[%swap3A_196], %gather3A_195 {strides = array<i32>} : memref<16384xf32, #tpu.memory_space<vmem>>, vector<16xf32>,
        %scan3A_198 = arith.constant 14 : i32
        %scan3A_199 = arith.addi %scan3A_50, %scan3A_198 : i32
        %mul3A_200 = arith.constant 16 : i32
        %mul3A_201 = arith.muli %scan3A_199, %mul3A_200 : i32
        %multiple_of3A_202 = tpu.assume_multiple %mul3A_201, 16 : i32
        %get3A_203 = arith.index_cast %multiple_of3A_202 : i32 to index
        %get3A_204 = tpu.vector_load %arg6[%get3A_203] {strides = array<i32>} : memref<16384xf32, #tpu.memory_space<vmem>>, vector<16xf32>,
        %bitcast3A_205 = vector.bitcast %get3A_204 : vector<16xf32> to vector<16xi32>
        %gather3A_206 = tpu.vector_load_idx %arg5[%bitcast3A_205] : memref<100000xf32, #tpu.memory_space<vmem>>[vector<16xi32>], vector<16xf32>,
        %swap3A_207 = arith.index_cast %multiple_of3A_202 : i32 to index
        %swap3A_208 = tpu.vector_load %arg6[%swap3A_207] {strides = array<i32>} : memref<16384xf32, #tpu.memory_space<vmem>>, vector<16xf32>,
        tpu.vector_store %arg6[%swap3A_207], %gather3A_206 {strides = array<i32>} : memref<16384xf32, #tpu.memory_space<vmem>>, vector<16xf32>,
        %scan3A_209 = arith.constant 15 : i32
        %scan3A_210 = arith.addi %scan3A_50, %scan3A_209 : i32
        %mul3A_211 = arith.constant 16 : i32
        %mul3A_212 = arith.muli %scan3A_210, %mul3A_211 : i32
        %multiple_of3A_213 = tpu.assume_multiple %mul3A_212, 16 : i32
        %get3A_214 = arith.index_cast %multiple_of3A_213 : i32 to index
        %get3A_215 = tpu.vector_load %arg6[%get3A_214] {strides = array<i32>} : memref<16384xf32, #tpu.memory_space<vmem>>, vector<16xf32>,
        %bitcast3A_216 = vector.bitcast %get3A_215 : vector<16xf32> to vector<16xi32>
        %gather3A_217 = tpu.vector_load_idx %arg5[%bitcast3A_216] : memref<100000xf32, #tpu.memory_space<vmem>>[vector<16xi32>], vector<16xf32>,
        %swap3A_218 = arith.index_cast %multiple_of3A_213 : i32 to index
        %swap3A_219 = tpu.vector_load %arg6[%swap3A_218] {strides = array<i32>} : memref<16384xf32, #tpu.memory_space<vmem>>, vector<16xf32>,
        tpu.vector_store %arg6[%swap3A_218], %gather3A_217 {strides = array<i32>} : memref<16384xf32, #tpu.memory_space<vmem>>, vector<16xf32>,
      }
      %scan3A_43 = arith.constant 1024 : i32
      %dma_start3A_44 = arith.constant 0 : i32
      %dma_start3A_45 = tpu.memref_slice %arg4[%scan3A_12, %add3A, %dma_start3A_44] : memref<26x32x16384xf32, #tpu.memory_space<hbm>> -> memref<1x1x16384xf32, #tpu.memory_space<hbm>>
      %dma_start3A_46 = tpu.memref_squeeze %dma_start3A_45 : memref<1x1x16384xf32, #tpu.memory_space<hbm>> -> memref<16384xf32, #tpu.memory_space<hbm>>
      %dma_start3A_47 = arith.constant 0 : i32
      %dma_start3A_48 = tpu.memref_slice %arg4[%scan3A_12, %add3A, %dma_start3A_47] : memref<26x32x16384xf32, #tpu.memory_space<hbm>> -> memref<1x1x16384xf32, #tpu.memory_space<hbm>>
      %dma_start3A_49 = tpu.memref_squeeze %dma_start3A_48 : memref<1x1x16384xf32, #tpu.memory_space<hbm>> -> memref<16384xf32, #tpu.memory_space<hbm>>
      tpu.enqueue_dma source(%arg6 : memref<16384xf32, #tpu.memory_space<vmem>>) target(%dma_start3A_49 : memref<16384xf32, #tpu.memory_space<hbm>>) target_semaphore(%arg9 : memref<!tpu.dma_semaphore, #tpu.memory_space<semaphore_mem>>)
    }
    %scan3A_5 = arith.constant 26 : i32
    %dma_wait3A = arith.constant 25 : i32
    %dma_wait3A_6 = arith.constant 0 : i32
    %dma_wait3A_7 = tpu.memref_slice %arg4[%dma_wait3A, %add3A, %dma_wait3A_6] : memref<26x32x16384xf32, #tpu.memory_space<hbm>> -> memref<1x1x16384xf32, #tpu.memory_space<hbm>>
    %dma_wait3A_8 = tpu.memref_squeeze %dma_wait3A_7 : memref<1x1x16384xf32, #tpu.memory_space<hbm>> -> memref<16384xf32, #tpu.memory_space<hbm>>
    %dma_wait3A_9 = arith.constant 0 : i32
    %dma_wait3A_10 = tpu.memref_slice %arg4[%dma_wait3A, %add3A, %dma_wait3A_9] : memref<26x32x16384xf32, #tpu.memory_space<hbm>> -> memref<1x1x16384xf32, #tpu.memory_space<hbm>>
    %dma_wait3A_11 = tpu.memref_squeeze %dma_wait3A_10 : memref<1x1x16384xf32, #tpu.memory_space<hbm>> -> memref<16384xf32, #tpu.memory_space<hbm>>
    tpu.wait_dma2 semaphore(%arg9 : memref<!tpu.dma_semaphore, #tpu.memory_space<semaphore_mem>>) src(%arg6 : memref<16384xf32, #tpu.memory_space<vmem>>) dst(%dma_wait3A_11 : memref<16384xf32, #tpu.memory_space<hbm>>)
    return
  }
}

</mosaic_0001>

<sc_bundles>
// kernel: kernel.3.cloned.1.call-start
scs
__scs_entry_jumppad:
0x0: {  	(pc) =	sbr.rel $0x88, $3  }
0x1: {  	(tag) =	ssettag $0x0;
	lr =	simm.s32 $0x1  }
0x2: {  	[smem:$0x3F9F] =	sst lr;
	_ =	strace $0xD0000000  }
0x3: {  	_ = 	snop  }
0x4: {  	_ = 	snop  }
0x5: {  	_ = 	snop  }
0x6: {  	_ = 	snop  }
0x7: {  	_ = 	snop  }
__scs_overlays_trampoline_lowered:
0x8: {  	[smem:$0x3FAE] =	sst s0  }
0x9: {  	[smem:$0x3FAF] =	sst s1  }
0xa: {  	[smem:$0x3FB0] =	sst s2  }
0xb: {  	[smem:$0x3FB1] =	sst s3  }
0xc: {  	[smem:$0x3FB2] =	sst s4  }
0xd: {  	[smem:$0x3FB3] =	sst s5  }
0xe: {  	[smem:$0x3FB4] =	sst s6  }
0xf: {  	[smem:$0x3FB5] =	sst s7  }
0x10: {  	[smem:$0x3FB6] =	sst s8  }
0x11: {  	[smem:$0x3FB7] =	sst s9;
	s0 =	simm.s32 @!p0 $0x0  }
0x12: {  	s1 =	sld [smem:$0x3F9D];
	s0 =	simm.s32 @p0 $0x1  }
0x13: {  	[smem:$0x3FB8] =	sst s0;
	s0 =	simm.s32 @!p1 $0x0  }
0x14: {  	s2 =	sld [smem:$0x3F9C];
	s0 =	simm.s32 @p1 $0x1  }
0x15: {  	[smem:$0x3FB9] =	sst s0;
	s0 =	simm.s32 @!p2 $0x0  }
0x16: {  	s3 =	sld [smem:$0x3FDB];
	s0 =	simm.s32 @p2 $0x1  }
0x17: {  	s4 =	simm.s32 $0x1BF5;
	[smem:$0x3FBB] =	sst s0  }
0x18: {  	s0 =	sld [smem:$0x3F9E];
	_ =	swait.ge [sflag:s4], $0x0  }
0x19: {  	s7 =	sld [smem:$0x3F9F]  }
0x1a: {  	s8 =	sadd.s32 $0xFFFFE003, lr  }
0x1b: {  	s9 =	sadd.s32 $0xFFFFFEF7, lr;
	s5 =	simm.s32 $0xFFFFFFFF;
	p2 =	slt.u32 s8, $0xFFFFF086  }
0x1c: {  	p1 =	slt.u32 s9, $0xF7A;
	s5 =	simm.s32 @!p2 $0x0  }
0x1d: {  	s5 =	simm.s32 @p1 $0x1;
	p0 =	seq.s32 s7, s2  }
0x1e: {  	s7 =	smul.u32 @!p0 $0xF7A, s2;
	p2 =	seq.s32 @!p0 s5, $0x0  }
0x1f: {  	s9 =	smul.u32 $0xF7A, s1;
	s8 =	simm.s32 @!p0 $0x1BF5;
	p2 =	por !p2, p0  }
0x20: {  	[sflag:s8] =	ssyncset.s32 @!p0 $0xFFFFF086;
	s6 =	sadd.s32 @!p0 s3, s7;
	s7 =	simm.s32 @!p0 $0x108  }
0x21: {  	s3 =	sadd.s32 s3, s9;
	s6 =	sadd.s32 @!p0 $0x88, s6;
	s7 =	simm.s32 @p2 $0x1082  }
0x22: {  	[simem:s7], [sflag:s8] =	dma.local @!p0 [hbm:s6], $0xF7A  }
0x23: {  	s9 =	sor.u32 $0xD0000000, s2;
	s6 =	simm.s32 $0x108;
	_ =	swait.ge @!p0 [sflag:s8], $0x0  }
0x24: {  	s3 =	sadd.s32 $0x88, s3;
	s6 =	simm.s32 @!p1 $0x1082;
	[sflag:s4] =	ssyncset.s32 $0xFFFFF086  }
0x25: {  	[simem:s6], [sflag:s4] =	dma.local [hbm:s3], $0xF7A  }
0x26: {  	[smem:$0x3F9F] =	sst s1;
	(tag) =	ssettag s2;
	_ =	strace s9  }
0x27: {  	s1 =	sld [smem:$0x3FAF]  }
0x28: {  	s2 =	sld [smem:$0x3FB0]  }
0x29: {  	s4 =	sld [smem:$0x3FB2]  }
0x2a: {  	p0 =	seq.s32 s5, $0x0;
	s5 =	sld [smem:$0x3FB3]  }
0x2b: {  	s6 =	sld [smem:$0x3FB4]  }
0x2c: {  	s7 =	sld [smem:$0x3FB5]  }
0x2d: {  	s3 =	simm.s32 $0x108;
	s8 =	sld [smem:$0x3FB6]  }
0x2e: {  	s3 =	simm.s32 @!p0 $0x1082;
	s9 =	sld [smem:$0x3FB7]  }
0x2f: {  	lr =	sadd.s32 s0, s3;
	s0 =	sld [smem:$0x3FAE]  }
0x30: {  	s3 =	sld [smem:$0x3FB1]  }
0x31: {  	[smem:$0x3FBA] =	sst s10  }
0x32: {  	s10 =	sld [smem:$0x3FB8];
	_ =	sdelay $0x3  }
0x33: {  	p0 =	seq.s32 s10, $0x1;
	s10 =	sld [smem:$0x3FBA];
	_ =	sdelay $0x3  }
0x34: {  	[smem:$0x3FBA] =	sst s10  }
0x35: {  	s10 =	sld [smem:$0x3FB9];
	_ =	sdelay $0x3  }
0x36: {  	p1 =	seq.s32 s10, $0x1;
	s10 =	sld [smem:$0x3FBA];
	_ =	sdelay $0x3  }
0x37: {  	[smem:$0x3FBA] =	sst s10  }
0x38: {  	s10 =	sld [smem:$0x3FBB]  }
0x39: {  	_ = 	snop;
	(pc) =	sbr.ind lr, $3  }
0x3a: {  	_ = 	snop  }
0x3b: {  	_ = 	snop  }
0x3c: {  	p2 =	seq.s32 s10, $0x1;
	s10 =	sld [smem:$0x3FBA]  }
0x3d: {  	_ =	shalt  }
0x3e: {  	_ =	shalt  }
0x3f: {  	_ =	shalt  }
0x40: {  	_ =	shalt  }
0x41: {  	_ =	shalt  }
0x42: {  	_ =	shalt  }
0x43: {  	_ =	shalt  }
0x44: {  	_ =	shalt  }
0x45: {  	_ =	shalt  }
0x46: {  	_ =	shalt  }
0x47: {  	_ =	shalt  }
0x48: {  	_ =	shalt  }
0x49: {  	_ =	shalt  }
0x4a: {  	_ =	shalt  }
0x4b: {  	_ =	shalt  }
0x4c: {  	_ =	shalt  }
0x4d: {  	_ =	shalt  }
0x4e: {  	_ =	shalt  }
0x4f: {  	_ =	shalt  }
0x50: {  	_ =	shalt  }
0x51: {  	_ =	shalt  }
0x52: {  	_ =	shalt  }
0x53: {  	_ =	shalt  }
0x54: {  	_ =	shalt  }
0x55: {  	_ =	shalt  }
0x56: {  	_ =	shalt  }
0x57: {  	_ =	shalt  }
0x58: {  	_ =	shalt  }
0x59: {  	_ =	shalt  }
0x5a: {  	_ =	shalt  }
0x5b: {  	_ =	shalt  }
0x5c: {  	_ =	shalt  }
0x5d: {  	_ =	shalt  }
0x5e: {  	_ =	shalt  }
0x5f: {  	_ =	shalt  }
0x60: {  	_ =	shalt  }
0x61: {  	_ =	shalt  }
0x62: {  	_ =	shalt  }
0x63: {  	_ =	shalt  }
0x64: {  	_ =	shalt  }
0x65: {  	_ =	shalt  }
0x66: {  	_ =	shalt  }
0x67: {  	_ =	shalt  }
0x68: {  	_ =	shalt  }
0x69: {  	_ =	shalt  }
0x6a: {  	_ =	shalt  }
0x6b: {  	_ =	shalt  }
0x6c: {  	_ =	shalt  }
0x6d: {  	_ =	shalt  }
0x6e: {  	_ =	shalt  }
0x6f: {  	_ =	shalt  }
0x70: {  	_ =	shalt  }
0x71: {  	_ =	shalt  }
0x72: {  	_ =	shalt  }
0x73: {  	_ =	shalt  }
0x74: {  	_ =	shalt  }
0x75: {  	_ =	shalt  }
0x76: {  	_ =	shalt  }
0x77: {  	_ =	shalt  }
0x78: {  	_ =	shalt  }
0x79: {  	_ =	shalt  }
0x7a: {  	_ =	shalt  }
0x7b: {  	_ =	shalt  }
0x7c: {  	_ =	shalt  }
0x7d: {  	_ =	shalt  }
0x7e: {  	_ =	shalt  }
0x7f: {  	_ =	shalt  }
0x80: {  	_ =	shalt  }
0x81: {  	_ =	shalt  }
0x82: {  	_ =	shalt  }
0x83: {  	_ =	shalt  }
0x84: {  	_ =	shalt  }
0x85: {  	_ =	shalt  }
0x86: {  	_ =	shalt  }
0x87: {  	_ =	shalt  }
.Lfunc_end0:
.L_simem_size_0:
called_computation_lowered:
.L_overlay_start_0:
0x88: {  	s2 =	sld [smem:$0x3FD9]  }
0x89: {  	s3 =	sld [smem:$0x3FFE];
	_ =	sdelay $0x1  }
0x8a: {  	s1 =	srdreg.scid  }
0x8b: {  	s0 =	sand.u32 $0x1, s1  }
0x8c: {  	s17 =	sshll.u32 s0, $0xA;
	s2 =	sadd.s32 s3, s2  }
0x8d: {  	s2 =	sadd.s32 s2, s17  }
0x8e: {  	[smem:$0x3FC6] =	sst s2  }
0x8f: {  	_ = 	snop  }
0x90: {  	s2 =	sld [smem:$0x3FC8]  }
0x91: {  	s18 =	sld [smem:$0x3FD0];
	(tm) =	ssettm $0x1  }
0x92: {  	s4 =	sld [smem:$0x3FFB];
	_ =	sdelay $0x3  }
0x93: {  	_ =	strace s4  }
0x94: {  	s4 =	sld [smem:$0x3FFC];
	_ =	sdelay $0x3  }
0x95: {  	_ =	strace s4  }
0x96: {  	s4 =	sld [smem:$0x3FFD];
	_ =	sdelay $0x3  }
0x97: {  	_ =	strace s4  }
0x98: {  	_ =	strace $0x8FFFFFFF  }
0x99: {  	s19 =	sld [smem:$0x3FDB];
	_ =	sdelay $0x1  }
0x9a: {  	s5 =	simm.s32 $_scs_section_size  }
0x9b: {  	s6 =	simm.s32 $_size__tile_overlayer_lowered;
	s7 =	simm.s32 $_tile_overlayer_lowered  }
0x9c: {  	s22 =	simm.s32 $0x1BFF;
	s21 =	sshll.u32 s7, $0x1;
	s4 =	sadd.s32 s5, s19  }
0x9d: {  	s8 =	simm.s32 $0x0;
	s20 =	sshll.u32 s6, $0x1;
	s6 =	sadd.s32 s21, s4  }
0x9e: {  	[timem:s8], [sflag:s22] =	dma.local [hbm:s6], s20  }
0x9f: {  	_ =	swait.ge [sflag:s22], s20  }
0xa0: {  	s5 =	ssub.s32 $0x0, s20;
	[sflag:s22] =	ssyncset.done $0x0  }
0xa1: {  	[sflag:s22] =	ssyncadd.s32 s5;
	_ =	sdelay $0x1  }
0xa2: {  	s23 =	simm.s32 $0x1B8B  }
0xa3: {  	_ =	swait.ge [sflag:s23], $0x1  }
0xa4: {  	[sflag:s23] =	ssyncset.done $0x0  }
0xa5: {  	s25 =	simm.s32 $0x1B8E;
	s24 =	sld [smem:$0x3FFE];
	[sflag:s23] =	ssyncadd.s32 $0xFFFFFFFF  }
0xa6: {  	s26 =	simm.s32 $execute0_lowered;
	[smem:$0x3FD2] =	sst s25  }
0xa7: {  	s6 =	sshll.u32 s26, $0x1;
	_ =	strace $0x80000046;
	[dreg:$0x1] =	wrdreg $0xFFFFFFFF  }
0xa8: {  	s28 =	simm.s32 $_size_execute0_lowered;
	s4 =	sadd.s32 s4, s6;
	[dreg:$0x0] =	wrdreg $0x0  }
0xa9: {  	s6 =	sshll.u32 s28, $0x1;
	[dreg:$0x2] =	wrdreg s4  }
0xaa: {  	[dreg:$0x3] =	wrdreg s6  }
0xab: {  	[dreg:$0x4] =	wrdreg $0xC0  }
0xac: {  	_ =	task [dreg:s8], $0x5FFFF  }
0xad: {  	[dreg:$0x1] =	wrdreg $0xFFFFFFFF  }
0xae: {  	[dreg:$0x0] =	wrdreg $0x60  }
0xaf: {  	[dreg:$0x2] =	wrdreg s2  }
0xb0: {  	[dreg:$0x3] =	wrdreg s24  }
0xb1: {  	[dreg:$0x4] =	wrdreg s18  }
0xb2: {  	[dreg:$0x5] =	wrdreg $0x9  }
0xb3: {  	_ =	task.clear_ibuf [dreg:s8], $0x6FFFF;
	_ =	strace $0x90000046  }
0xb4: {  	s29 =	simm.s32 $0x9;
	_ =	strace $0x80000048  }
0xb5: {  	_ =	swait.ge [sflag:s29], $0x1  }
0xb6: {  	[sflag:s29] =	ssyncadd.s32 $0xFFFFFFFF  }
0xb7: {  	_ =	strace $0x90000048  }
0xb8: {  	_ =	sfence  }
0xb9: {  	s30 =	sld [smem:$0x0];
	_ =	sdelay $0x2  }
0xba: {  	s31 =	sshll.u32 s1, $0xD;
	s1 =	sshrl.u32 s1, $0x2  }
0xbb: {  	s3 =	sand.u32 $0x4000, s31;
	s1 =	sadd.s32 s1, s30  }
0xbc: {  	s0 =	sor.u32 s3, s0;
	s1 =	sshll.u32 s1, $0x11  }
0xbd: {  	s0 =	sor.u32 s1, s0  }
0xbe: {  	s0 =	sadd.s32 $0x8F2B, s0  }
0xbf: {  	[sflag:s0] =	ssyncadd.remote.s32 $0x1  }
0xc0: {  	_ =	sfence.sel $0xFFFF  }
0xc1: {  	[dreg:$0x0] =	wrdreg $0xFFFFFFFF;
	(pc) =	sbr.abs _section_cstart, $3  }
0xc2: {  	[dreg:$0x1] =	wrdreg $0xFFFFFFFF  }
0xc3: {  	_ =	task.clear_ibuf [dreg:s8], $0x2FFFF;
	_ =	strace $0x9FFFFFFF  }
0xc4: {  	(tm) =	ssettm $0x7FFFFFFF  }
0xc5: {  	_ =	shalt  }
tec
execute0_lowered:
.L_overlay_start_1:
0x0: {  	(tag) =	ssettag $0x1  }
0x1: {  	s1 =	rddreg [dreg:$0x0]  }
0x2: {  	s6 =	rddreg [dreg:$0x1]  }
0x3: {  	s2 =	rddreg [dreg:$0x2]  }
0x4: {  	s0 =	rddreg [dreg:$0x3];
	s4 =	simm.s32 $0x0;
	s5 =	srdreg.scid  }
0x5: {  	s3 =	stileid.u32;
	s12 =	simm.s32 $0x18700;
	s13 =	simm.s32 $0x2  }
0x6: {  	s14 =	simm.s32 $0x1;
	s15 =	simm.s32 $0x3;
	s16 =	simm.s32 $0x0  }
0x7: {  	[smem:$0x7FF] =	sst s4;
	s5 =	sand.u32 $0x1, s5;
	s8 =	sshrl.u32 s3, $0x2  }
0x8: {  	s9 =	sshll.u32 s3, $0x8;
	s6 =	sadd.s32 $0x400, s6;
	s7 =	ssub.s32 $0x2, s5  }
0x9: {  	s5 =	sshll.u32 s5, $0x7;
	s9 =	sand.u32 $0x300, s9;
	s10 =	smul.u32 $0xC3800, s8  }
0xa: {  	_ =	strace $0x80000047;
	s11 =	sshrl.u32 s7, $0x1;
	s5 =	sor.u32 s5, s9  }
0xb: {  	s8 =	sshll.u32 s8, $0x11;
	s31 =	ssub.s32 s7, s11;
	s7 =	sor.u32 s5, s10  }
0xc: {  	s10 =	simm.s32 $0x80;
	s11 =	simm.s32 $0x400;
	s9 =	smax.u32 s31, $0x1  }
.LBB2_1:
0xd: {  	s17 =	simm.s32 $0x0  }
.LBB2_2:
0xe: {  	s18 =	smul.u32 $0x30E000, s17;
	_ =	sdelay $0x1  }
0xf: {  	s18 =	sadd.s32 s7, s18  }
0x10: {  	s18 =	sshrl.u32 s18, $0x3  }
0x11: {  	p0 =	seq.s32 s17, $0x0;
	s18 =	sadd.s32 s1, s18  }
0x12: {  	[tilespmem:s4], [sflag:$0x1] =	stream.strided.gather [hbm4b:s18+s10], $0x18700, s11, s10, $0x38;
	[tilespmem:$0x1C700] =	vst v63  }
0x13: {  	s19 =	sshll.u32 s17, $0x4;
	s18 =	simm.s32 @!p0 $0x3  }
0x14: {  	s20 =	sshll.u32 s17, $0xB;
	s19 =	sand.u32 $0x70, s19;
	_ =	swait.ge @!p0 [sflag:s18], $0x4000  }
0x15: {  	s20 =	sand.u32 $0xC000, s20;
	s19 =	sadd.s32 s6, s19;
	[sflag:s18] =	ssyncset.done @!p0 $0x0  }
0x16: {  	s31 =	sadd.s32 s20, s19;
	[sflag:s18] =	ssyncadd.s32 @!p0 $0xFFFFC000  }
0x17: {  	[tilespmem:s12], [sflag:$0x2] =	stream.strided.gather [hbm4b:s31+s10], $0x4000, s11, s10, $0x38;
	[tilespmem:$0x1C700] =	vst v63  }
0x18: {  	_ =	swait.ge [sflag:s13], $0x4000  }
0x19: {  	[sflag:s13] =	ssyncset.done $0x0  }
0x1a: {  	[sflag:s13] =	ssyncadd.s32 $0xFFFFC000  }
0x1b: {  	_ =	swait.ge [sflag:s14], $0x18700  }
0x1c: {  	[sflag:s14] =	ssyncset.done $0x0  }
0x1d: {  	s18 =	simm.s32 $0x18780;
	[sflag:s14] =	ssyncadd.s32 $0xFFFE7900  }
0x1e: {  	v0 =	vld [tilespmem:s18+$0xFFFFFF80];
	_ =	sdelay $0x5  }
0x1f: {  	v1 =	vld [tilespmem:s18+$0xFFFFFF90];
	_ =	sdelay $0x1  }
0x20: {  	v0 =	vld.idx.msk [tilespmem:v0+s4+$0x0], $0xffff;
	_ =	sdelay $0x4  }
0x21: {  	[tilespmem:s18+$0xFFFFFF80] =	vst v0;
	v0 =	vld [tilespmem:s18+$0xFFFFFFA0]  }
0x22: {  	v1 =	vld.idx.msk [tilespmem:v1+s4+$0x0], $0xffff;
	_ =	sdelay $0x4  }
0x23: {  	[tilespmem:s18+$0xFFFFFF90] =	vst v1;
	v1 =	vld [tilespmem:s18+$0xFFFFFFB0];
	_ =	sdelay $0x1  }
0x24: {  	v0 =	vld.idx.msk [tilespmem:v0+s4+$0x0], $0xffff;
	_ =	sdelay $0x4  }
0x25: {  	[tilespmem:s18+$0xFFFFFFA0] =	vst v0;
	v0 =	vld [tilespmem:s18+$0xFFFFFFC0]  }
0x26: {  	v1 =	vld.idx.msk [tilespmem:v1+s4+$0x0], $0xffff;
	_ =	sdelay $0x4  }
0x27: {  	[tilespmem:s18+$0xFFFFFFB0] =	vst v1;
	v1 =	vld [tilespmem:s18+$0xFFFFFFD0];
	_ =	sdelay $0x1  }
0x28: {  	v0 =	vld.idx.msk [tilespmem:v0+s4+$0x0], $0xffff;
	_ =	sdelay $0x4  }
0x29: {  	[tilespmem:s18+$0xFFFFFFC0] =	vst v0;
	v0 =	vld [tilespmem:s18+$0xFFFFFFE0]  }
0x2a: {  	v1 =	vld.idx.msk [tilespmem:v1+s4+$0x0], $0xffff;
	_ =	sdelay $0x4  }
0x2b: {  	[tilespmem:s18+$0xFFFFFFD0] =	vst v1;
	v1 =	vld [tilespmem:s18+$0xFFFFFFF0];
	_ =	sdelay $0x1  }
0x2c: {  	v0 =	vld.idx.msk [tilespmem:v0+s4+$0x0], $0xffff;
	_ =	sdelay $0x4  }
0x2d: {  	[tilespmem:s18+$0xFFFFFFE0] =	vst v0;
	v0 =	vld [tilespmem:s18+$0x0]  }
0x2e: {  	v1 =	vld.idx.msk [tilespmem:v1+s4+$0x0], $0xffff;
	_ =	sdelay $0x4  }
0x2f: {  	[tilespmem:s18+$0xFFFFFFF0] =	vst v1;
	v1 =	vld [tilespmem:s18+$0x10];
	_ =	sdelay $0x1  }
0x30: {  	v0 =	vld.idx.msk [tilespmem:v0+s4+$0x0], $0xffff;
	_ =	sdelay $0x4  }
0x31: {  	[tilespmem:s18+$0x0] =	vst v0;
	v0 =	vld [tilespmem:s18+$0x20]  }
0x32: {  	v1 =	vld.idx.msk [tilespmem:v1+s4+$0x0], $0xffff;
	_ =	sdelay $0x4  }
0x33: {  	[tilespmem:s18+$0x10] =	vst v1;
	v1 =	vld [tilespmem:s18+$0x30];
	_ =	sdelay $0x1  }
0x34: {  	v0 =	vld.idx.msk [tilespmem:v0+s4+$0x0], $0xffff;
	_ =	sdelay $0x4  }
0x35: {  	[tilespmem:s18+$0x20] =	vst v0;
	v0 =	vld [tilespmem:s18+$0x40]  }
0x36: {  	v1 =	vld.idx.msk [tilespmem:v1+s4+$0x0], $0xffff;
	_ =	sdelay $0x4  }
0x37: {  	[tilespmem:s18+$0x30] =	vst v1;
	v1 =	vld [tilespmem:s18+$0x50];
	_ =	sdelay $0x1  }
0x38: {  	v0 =	vld.idx.msk [tilespmem:v0+s4+$0x0], $0xffff;
	_ =	sdelay $0x4  }
0x39: {  	v2 =	vld [tilespmem:s18+$0x60];
	[tilespmem:s18+$0x40] =	vst v0  }
0x3a: {  	v0 =	vld.idx.msk [tilespmem:v1+s4+$0x0], $0xffff;
	_ =	sdelay $0x4  }
0x3b: {  	[tilespmem:s18+$0x50] =	vst v0;
	v0 =	vld [tilespmem:s18+$0x70];
	_ =	sdelay $0x1  }
0x3c: {  	v1 =	vld.idx.msk [tilespmem:v2+s4+$0x0], $0xffff;
	_ =	sdelay $0x3  }
0x3d: {  	s19 =	simm.s32 $0x0;
	s20 =	simm.s32 $0x18880  }
.LBB2_3:
0x3e: {  	v2 =	vld [tilespmem:s20+$0xFFFFFF80];
	s19 =	sadd.s32 $0x10, s19;
	[tilespmem:s18+$0x60] =	vst v1  }
0x3f: {  	p0 =	slt.u32 s19, $0x3F0;
	v0 =	vld.idx.msk [tilespmem:v0+s4+$0x0], $0xffff;
	_ =	sdelay $0x5  }
0x40: {  	v1 =	vld [tilespmem:s20+$0xFFFFFF90];
	[tilespmem:s18+$0x70] =	vst v0;
	s18 =	smov.u32 s20  }
0x41: {  	v0 =	vld.idx.msk [tilespmem:v2+s4+$0x0], $0xffff;
	_ =	sdelay $0x5  }
0x42: {  	[tilespmem:s20+$0xFFFFFF80] =	vst v0;
	v0 =	vld [tilespmem:s20+$0xFFFFFFA0]  }
0x43: {  	v1 =	vld.idx.msk [tilespmem:v1+s4+$0x0], $0xffff;
	_ =	sdelay $0x5  }
0x44: {  	[tilespmem:s20+$0xFFFFFF90] =	vst v1;
	v1 =	vld [tilespmem:s20+$0xFFFFFFB0]  }
0x45: {  	v0 =	vld.idx.msk [tilespmem:v0+s4+$0x0], $0xffff;
	_ =	sdelay $0x5  }
0x46: {  	[tilespmem:s20+$0xFFFFFFA0] =	vst v0;
	v0 =	vld [tilespmem:s20+$0xFFFFFFC0]  }
0x47: {  	v1 =	vld.idx.msk [tilespmem:v1+s4+$0x0], $0xffff;
	_ =	sdelay $0x5  }
0x48: {  	[tilespmem:s20+$0xFFFFFFB0] =	vst v1;
	v1 =	vld [tilespmem:s20+$0xFFFFFFD0]  }
0x49: {  	v0 =	vld.idx.msk [tilespmem:v0+s4+$0x0], $0xffff;
	_ =	sdelay $0x5  }
0x4a: {  	[tilespmem:s20+$0xFFFFFFC0] =	vst v0;
	v0 =	vld [tilespmem:s20+$0xFFFFFFE0]  }
0x4b: {  	v1 =	vld.idx.msk [tilespmem:v1+s4+$0x0], $0xffff;
	_ =	sdelay $0x5  }
0x4c: {  	[tilespmem:s20+$0xFFFFFFD0] =	vst v1;
	v1 =	vld [tilespmem:s20+$0xFFFFFFF0]  }
0x4d: {  	v0 =	vld.idx.msk [tilespmem:v0+s4+$0x0], $0xffff;
	_ =	sdelay $0x5  }
0x4e: {  	[tilespmem:s20+$0xFFFFFFE0] =	vst v0;
	v0 =	vld [tilespmem:s20+$0x0]  }
0x4f: {  	v1 =	vld.idx.msk [tilespmem:v1+s4+$0x0], $0xffff;
	_ =	sdelay $0x5  }
0x50: {  	[tilespmem:s20+$0xFFFFFFF0] =	vst v1;
	v1 =	vld [tilespmem:s20+$0x10]  }
0x51: {  	v0 =	vld.idx.msk [tilespmem:v0+s4+$0x0], $0xffff;
	_ =	sdelay $0x5  }
0x52: {  	[tilespmem:s20+$0x0] =	vst v0;
	v0 =	vld [tilespmem:s20+$0x20]  }
0x53: {  	v1 =	vld.idx.msk [tilespmem:v1+s4+$0x0], $0xffff;
	_ =	sdelay $0x5  }
0x54: {  	[tilespmem:s20+$0x10] =	vst v1;
	v1 =	vld [tilespmem:s20+$0x30]  }
0x55: {  	v0 =	vld.idx.msk [tilespmem:v0+s4+$0x0], $0xffff;
	_ =	sdelay $0x5  }
0x56: {  	[tilespmem:s20+$0x20] =	vst v0;
	v0 =	vld [tilespmem:s20+$0x40]  }
0x57: {  	v1 =	vld.idx.msk [tilespmem:v1+s4+$0x0], $0xffff;
	_ =	sdelay $0x5  }
0x58: {  	[tilespmem:s20+$0x30] =	vst v1;
	v1 =	vld [tilespmem:s20+$0x50]  }
0x59: {  	v0 =	vld.idx.msk [tilespmem:v0+s4+$0x0], $0xffff;
	_ =	sdelay $0x5  }
0x5a: {  	[tilespmem:s20+$0x40] =	vst v0;
	v2 =	vld [tilespmem:s20+$0x60]  }
0x5b: {  	v0 =	vld.idx.msk [tilespmem:v1+s4+$0x0], $0xffff;
	_ =	sdelay $0x5  }
0x5c: {  	[tilespmem:s20+$0x50] =	vst v0;
	v0 =	vld [tilespmem:s20+$0x70]  }
0x5d: {  	v1 =	vld.idx.msk [tilespmem:v2+s4+$0x0], $0xffff  }
.Ltmp0:
0x5e: {  	(pc) =	sbr.rel @p0 .LBB2_3-.Ltmp0, $2  }
0x5f: {  	_ =	sdelay $0x2  }
0x60: {  	s20 =	sadd.s32 $0x100, s20  }
0x61: {  	_ =	sdelay $0x2  }
0x62: {  	[tilespmem:s18+$0x60] =	vst v1  }
0x63: {  	s19 =	sshll.u32 s17, $0x13;
	s17 =	sadd.s32 $0x1, s17;
	v0 =	vld.idx.msk [tilespmem:v0+s4+$0x0], $0xffff  }
0x64: {  	p0 =	sne.s32 s17, $0x1A  }
.Ltmp1:
0x65: {  	s19 =	sor.u32 s19, s8;
	(pc) =	sbr.rel @p0 .LBB2_2-.Ltmp1, $4  }
0x66: {  	s19 =	sor.u32 s5, s19  }
0x67: {  	s19 =	sshrl.u32 s19, $0x3  }
0x68: {  	s31 =	sadd.s32 s2, s19;
	[tilespmem:s18+$0x70] =	vst v0  }
0x69: {  	[hbm4b:s31+s10] =	stream.strided.scatter [tilespmem:s12], [sflag:$0x3], $0x4000, s11, s10, $0x38;
	[tilespmem:$0x1C700] =	vst v63  }
0x6a: {  	s16 =	sadd.s32 $0x1, s16  }
0x6b: {  	p0 =	sne.s32 s16, s9  }
.Ltmp2:
0x6c: {  	_ = 	snop;
	(pc) =	sbr.rel @p0 .LBB2_1-.Ltmp2, $4  }
0x6d: {  	_ = 	snop  }
0x6e: {  	_ =	swait.ge [sflag:s15], $0x4000  }
0x6f: {  	[sflag:s15] =	ssyncset.done $0x0  }
0x70: {  	[sflag:s15] =	ssyncadd.s32 $0xFFFFC000  }
0x71: {  	_ =	sfence.sel $0x180000  }
0x72: {  	[bflag:$0x0] =	sbarrier.arrive $0xFFFF  }
0x73: {  	p0 =	sne.s32 s3, $0x0;
	_ =	strace $0x90000047  }
0x74: {  	s0 =	sadd.s32 @!p0 $0x100000, s0;
	[bflag:$0x2] =	sbarrier.arrive $0xFFFF  }
0x75: {  	[sflag:s0] =	ssyncadd.tile.s32 @!p0 $0x1;
	_ =	shalt  }
.Lfunc_end2:
_tile_overlayer_lowered:
.L_overlay_start_2:
0x76: {  	(tag) =	ssettag $0x2  }
0x77: {  	s0 =	rddreg [dreg:$0x0];
	s2 =	stileid.u32  }
0x78: {  	s1 =	rddreg [dreg:$0x1];
	p0 =	sne.s32 s2, $0x0  }
0x79: {  	s3 =	rddreg [dreg:$0x2];
	[bflag:$0x3] =	sbarrier.arrive $0xFFFF;
	s2 =	simm.s32 @!p0 $0x1C04  }
0x7a: {  	[timem:s3], [sflag:s2] =	dma.local @!p0 [hbm:s0], s1  }
0x7b: {  	s0 =	simm.s32 @!p0 $0x4  }
0x7c: {  	_ =	swait.ge @!p0 [sflag:s0], s1  }
0x7d: {  	s1 =	ssub.s32 @!p0 $0x0, s1;
	[sflag:s0] =	ssyncset.done @!p0 $0x0  }
0x7e: {  	[sflag:s0] =	ssyncadd.s32 @!p0 s1  }
0x7f: {  	[bflag:$0x3] =	sbarrier.arrive $0xFFFF  }
0x80: {  	_ =	shalt  }

</sc_bundles>
